<compile_context>
chip_gen: v7x
topology: tpu7x:2x2x1
jax: 0.10.2.dev20260603
libtpu: 0.0.44.dev20260713+nightly
codegen_flags: <defaults>
</compile_context>

<pallas_src>
import jax
import jax.numpy as jnp
from jax import lax
from jax.experimental import pallas as pl
from jax.experimental.pallas import tpu as pltpu
from jax.experimental.pallas import tpu_sc as plsc

_N = 1_000_000
_D = 64


def kernel(x):
    ref = jax.new_ref(x)
    mesh = plsc.VectorSubcoreMesh(core_axis_name="c", subcore_axis_name="s")

    @pl.core_map(
        mesh,
        scratch_shapes=[
            pltpu.VMEM((8, _D), jnp.float32),
            pltpu.SemaphoreType.DMA,
        ],
    )
    def _(buf, sem):
        cid = lax.axis_index("c")
        sid = lax.axis_index("s")

        @pl.when(jnp.logical_and(cid == 0, sid == 0))
        def _():
            cp_in = pltpu.make_async_copy(ref.at[pl.ds(0, 8), :], buf, sem)
            cp_in.start()
            cp_in.wait()
            two = jnp.full((16,), 2.0, jnp.float32)
            for c in range(_D // 16):
                buf[1, pl.ds(c * 16, 16)] = two
                buf[3, pl.ds(c * 16, 16)] = two
            cp_out = pltpu.make_async_copy(buf, ref.at[pl.ds(0, 8), :], sem)
            cp_out.start()
            cp_out.wait()

    return ref[...]

# --- scband reference (transcript-rebuilt; emitter-appended) ---
"""Pipeline reference for scband-my-model-61933428412033 (READ-ONLY COPY).

The authoritative reference and input builder live on the scoring server;
editing this copy changes nothing except your own understanding.
"""

import jax, jax.numpy as jnp
import numpy as np

INDICES = jnp.array([1, 3], dtype=jnp.int64)

def setup_inputs(seed: int = 0) -> dict:
    key = jax.random.key(seed)
    x = jax.random.normal(key, (1000000, 64), dtype=jnp.float32)
    return {"x": x}

def reference(x):
    # Faithful translation of: x[self.indices] = 2; return x
    # In-place row overwrite -> scatter-overwrite via .at[].set
    out = x.at[INDICES].set(2.0)
    return out

if __name__ == "__main__":
    import jax
    _d = setup_inputs()
    print(jax.jit(kernel)(*tuple(_d.values())))

</pallas_src>

<mosaic_0001>
#map = affine_map<(d0, d1) -> (0, 0)>
module attributes {stable_mosaic.version = 14 : i64} {
  func.func @_(%arg0: i32, %arg1: i32, %arg2: memref<1000000x64xf32, #tpu.memory_space<hbm>>, %arg3: memref<1000000x64xf32, #tpu.memory_space<hbm>>, %arg4: memref<8x64xf32, #tpu.memory_space<vmem>>, %arg5: memref<!tpu.dma_semaphore, #tpu.memory_space<semaphore_mem>>) attributes {dimension_semantics = [#tpu.dimension_semantics<core_parallel>, #tpu.dimension_semantics<subcore_parallel>], iteration_bounds = array<i64: 2, 16>, scalar_prefetch = 0 : i64, scratch_operands = 2 : i64, tpu.core_type = #tpu.core_type<sc_vector_subcore>, window_params = [{transform_indices = #map}, {transform_indices = #map}]} {
    %eq3A = arith.constant 0 : i32
    %eq3A_0 = arith.cmpi eq, %arg0, %eq3A : i32
    %eq3A_1 = arith.constant 0 : i32
    %eq3A_2 = arith.cmpi eq, %arg1, %eq3A_1 : i32
    %and3A = arith.andi %eq3A_0, %eq3A_2 : i1
    %convert_element_type3A = arith.extui %and3A : i1 to i32
    %cond3A = arith.constant 0 : i32
    %cond3A_3 = arith.cmpi ne, %convert_element_type3A, %cond3A : i32
    scf.if %cond3A_3 {
      %dma_start3A = arith.constant 0 : i32
      %dma_start3A_4 = arith.constant 0 : i32
      %dma_start3A_5 = tpu.memref_slice %arg2[%dma_start3A, %dma_start3A_4] : memref<1000000x64xf32, #tpu.memory_space<hbm>> -> memref<8x64xf32, #tpu.memory_space<hbm>>
      %dma_start3A_6 = arith.constant 0 : i32
      %dma_start3A_7 = arith.constant 0 : i32
      %dma_start3A_8 = tpu.memref_slice %arg2[%dma_start3A_6, %dma_start3A_7] : memref<1000000x64xf32, #tpu.memory_space<hbm>> -> memref<8x64xf32, #tpu.memory_space<hbm>>
      tpu.enqueue_dma source(%dma_start3A_8 : memref<8x64xf32, #tpu.memory_space<hbm>>) target(%arg4 : memref<8x64xf32, #tpu.memory_space<vmem>>) target_semaphore(%arg5 : memref<!tpu.dma_semaphore, #tpu.memory_space<semaphore_mem>>)
      %dma_wait3A = arith.constant 0 : i32
      %dma_wait3A_9 = arith.constant 0 : i32
      %dma_wait3A_10 = tpu.memref_slice %arg2[%dma_wait3A, %dma_wait3A_9] : memref<1000000x64xf32, #tpu.memory_space<hbm>> -> memref<8x64xf32, #tpu.memory_space<hbm>>
      %dma_wait3A_11 = arith.constant 0 : i32
      %dma_wait3A_12 = arith.constant 0 : i32
      %dma_wait3A_13 = tpu.memref_slice %arg2[%dma_wait3A_11, %dma_wait3A_12] : memref<1000000x64xf32, #tpu.memory_space<hbm>> -> memref<8x64xf32, #tpu.memory_space<hbm>>
      tpu.wait_dma2 semaphore(%arg5 : memref<!tpu.dma_semaphore, #tpu.memory_space<semaphore_mem>>) src(%dma_wait3A_13 : memref<8x64xf32, #tpu.memory_space<hbm>>) dst(%arg4 : memref<8x64xf32, #tpu.memory_space<vmem>>)
      %broadcast_in_dim3A = arith.constant 2.000000e+00 : f32
      %broadcast_in_dim3A_14 = vector.broadcast %broadcast_in_dim3A : f32 to vector<16xf32>
      %swap3A = arith.constant 1 : i32
      %swap3A_15 = arith.index_cast %swap3A : i32 to index
      %swap3A_16 = arith.constant 0 : index
      %swap3A_17 = tpu.vector_load %arg4[%swap3A_15, %swap3A_16] {strides = array<i32>} : memref<8x64xf32, #tpu.memory_space<vmem>>, vector<1x16xf32>,
      %swap3A_18 = vector.shape_cast %swap3A_17 : vector<1x16xf32> to vector<16xf32>
      %swap3A_19 = vector.shape_cast %broadcast_in_dim3A_14 : vector<16xf32> to vector<1x16xf32>
      tpu.vector_store %arg4[%swap3A_15, %swap3A_16], %swap3A_19 {strides = array<i32>} : memref<8x64xf32, #tpu.memory_space<vmem>>, vector<1x16xf32>,
      %swap3A_20 = arith.constant 3 : i32
      %swap3A_21 = arith.index_cast %swap3A_20 : i32 to index
      %swap3A_22 = arith.constant 0 : index
      %swap3A_23 = tpu.vector_load %arg4[%swap3A_21, %swap3A_22] {strides = array<i32>} : memref<8x64xf32, #tpu.memory_space<vmem>>, vector<1x16xf32>,
      %swap3A_24 = vector.shape_cast %swap3A_23 : vector<1x16xf32> to vector<16xf32>
      %swap3A_25 = vector.shape_cast %broadcast_in_dim3A_14 : vector<16xf32> to vector<1x16xf32>
      tpu.vector_store %arg4[%swap3A_21, %swap3A_22], %swap3A_25 {strides = array<i32>} : memref<8x64xf32, #tpu.memory_space<vmem>>, vector<1x16xf32>,
      %swap3A_26 = arith.constant 1 : i32
      %swap3A_27 = arith.index_cast %swap3A_26 : i32 to index
      %swap3A_28 = arith.constant 16 : index
      %swap3A_29 = tpu.vector_load %arg4[%swap3A_27, %swap3A_28] {strides = array<i32>} : memref<8x64xf32, #tpu.memory_space<vmem>>, vector<1x16xf32>,
      %swap3A_30 = vector.shape_cast %swap3A_29 : vector<1x16xf32> to vector<16xf32>
      %swap3A_31 = vector.shape_cast %broadcast_in_dim3A_14 : vector<16xf32> to vector<1x16xf32>
      tpu.vector_store %arg4[%swap3A_27, %swap3A_28], %swap3A_31 {strides = array<i32>} : memref<8x64xf32, #tpu.memory_space<vmem>>, vector<1x16xf32>,
      %swap3A_32 = arith.constant 3 : i32
      %swap3A_33 = arith.index_cast %swap3A_32 : i32 to index
      %swap3A_34 = arith.constant 16 : index
      %swap3A_35 = tpu.vector_load %arg4[%swap3A_33, %swap3A_34] {strides = array<i32>} : memref<8x64xf32, #tpu.memory_space<vmem>>, vector<1x16xf32>,
      %swap3A_36 = vector.shape_cast %swap3A_35 : vector<1x16xf32> to vector<16xf32>
      %swap3A_37 = vector.shape_cast %broadcast_in_dim3A_14 : vector<16xf32> to vector<1x16xf32>
      tpu.vector_store %arg4[%swap3A_33, %swap3A_34], %swap3A_37 {strides = array<i32>} : memref<8x64xf32, #tpu.memory_space<vmem>>, vector<1x16xf32>,
      %swap3A_38 = arith.constant 1 : i32
      %swap3A_39 = arith.index_cast %swap3A_38 : i32 to index
      %swap3A_40 = arith.constant 32 : index
      %swap3A_41 = tpu.vector_load %arg4[%swap3A_39, %swap3A_40] {strides = array<i32>} : memref<8x64xf32, #tpu.memory_space<vmem>>, vector<1x16xf32>,
      %swap3A_42 = vector.shape_cast %swap3A_41 : vector<1x16xf32> to vector<16xf32>
      %swap3A_43 = vector.shape_cast %broadcast_in_dim3A_14 : vector<16xf32> to vector<1x16xf32>
      tpu.vector_store %arg4[%swap3A_39, %swap3A_40], %swap3A_43 {strides = array<i32>} : memref<8x64xf32, #tpu.memory_space<vmem>>, vector<1x16xf32>,
      %swap3A_44 = arith.constant 3 : i32
      %swap3A_45 = arith.index_cast %swap3A_44 : i32 to index
      %swap3A_46 = arith.constant 32 : index
      %swap3A_47 = tpu.vector_load %arg4[%swap3A_45, %swap3A_46] {strides = array<i32>} : memref<8x64xf32, #tpu.memory_space<vmem>>, vector<1x16xf32>,
      %swap3A_48 = vector.shape_cast %swap3A_47 : vector<1x16xf32> to vector<16xf32>
      %swap3A_49 = vector.shape_cast %broadcast_in_dim3A_14 : vector<16xf32> to vector<1x16xf32>
      tpu.vector_store %arg4[%swap3A_45, %swap3A_46], %swap3A_49 {strides = array<i32>} : memref<8x64xf32, #tpu.memory_space<vmem>>, vector<1x16xf32>,
      %swap3A_50 = arith.constant 1 : i32
      %swap3A_51 = arith.index_cast %swap3A_50 : i32 to index
      %swap3A_52 = arith.constant 48 : index
      %swap3A_53 = tpu.vector_load %arg4[%swap3A_51, %swap3A_52] {strides = array<i32>} : memref<8x64xf32, #tpu.memory_space<vmem>>, vector<1x16xf32>,
      %swap3A_54 = vector.shape_cast %swap3A_53 : vector<1x16xf32> to vector<16xf32>
      %swap3A_55 = vector.shape_cast %broadcast_in_dim3A_14 : vector<16xf32> to vector<1x16xf32>
      tpu.vector_store %arg4[%swap3A_51, %swap3A_52], %swap3A_55 {strides = array<i32>} : memref<8x64xf32, #tpu.memory_space<vmem>>, vector<1x16xf32>,
      %swap3A_56 = arith.constant 3 : i32
      %swap3A_57 = arith.index_cast %swap3A_56 : i32 to index
      %swap3A_58 = arith.constant 48 : index
      %swap3A_59 = tpu.vector_load %arg4[%swap3A_57, %swap3A_58] {strides = array<i32>} : memref<8x64xf32, #tpu.memory_space<vmem>>, vector<1x16xf32>,
      %swap3A_60 = vector.shape_cast %swap3A_59 : vector<1x16xf32> to vector<16xf32>
      %swap3A_61 = vector.shape_cast %broadcast_in_dim3A_14 : vector<16xf32> to vector<1x16xf32>
      tpu.vector_store %arg4[%swap3A_57, %swap3A_58], %swap3A_61 {strides = array<i32>} : memref<8x64xf32, #tpu.memory_space<vmem>>, vector<1x16xf32>,
      %dma_start3A_62 = arith.constant 0 : i32
      %dma_start3A_63 = arith.constant 0 : i32
      %dma_start3A_64 = tpu.memref_slice %arg2[%dma_start3A_62, %dma_start3A_63] : memref<1000000x64xf32, #tpu.memory_space<hbm>> -> memref<8x64xf32, #tpu.memory_space<hbm>>
      %dma_start3A_65 = arith.constant 0 : i32
      %dma_start3A_66 = arith.constant 0 : i32
      %dma_start3A_67 = tpu.memref_slice %arg2[%dma_start3A_65, %dma_start3A_66] : memref<1000000x64xf32, #tpu.memory_space<hbm>> -> memref<8x64xf32, #tpu.memory_space<hbm>>
      tpu.enqueue_dma source(%arg4 : memref<8x64xf32, #tpu.memory_space<vmem>>) target(%dma_start3A_67 : memref<8x64xf32, #tpu.memory_space<hbm>>) target_semaphore(%arg5 : memref<!tpu.dma_semaphore, #tpu.memory_space<semaphore_mem>>)
      %dma_wait3A_68 = arith.constant 0 : i32
      %dma_wait3A_69 = arith.constant 0 : i32
      %dma_wait3A_70 = tpu.memref_slice %arg2[%dma_wait3A_68, %dma_wait3A_69] : memref<1000000x64xf32, #tpu.memory_space<hbm>> -> memref<8x64xf32, #tpu.memory_space<hbm>>
      %dma_wait3A_71 = arith.constant 0 : i32
      %dma_wait3A_72 = arith.constant 0 : i32
      %dma_wait3A_73 = tpu.memref_slice %arg2[%dma_wait3A_71, %dma_wait3A_72] : memref<1000000x64xf32, #tpu.memory_space<hbm>> -> memref<8x64xf32, #tpu.memory_space<hbm>>
      tpu.wait_dma2 semaphore(%arg5 : memref<!tpu.dma_semaphore, #tpu.memory_space<semaphore_mem>>) src(%arg4 : memref<8x64xf32, #tpu.memory_space<vmem>>) dst(%dma_wait3A_73 : memref<8x64xf32, #tpu.memory_space<hbm>>)
    } else {
    }
    return
  }
}

</mosaic_0001>

<sc_bundles>
// kernel: _.3.cloned.1.call-start
scs
__scs_entry_jumppad:
0x0: {  	(pc) =	sbr.rel $0x88, $3  }
0x1: {  	(tag) =	ssettag $0x0;
	lr =	simm.s32 $0x1  }
0x2: {  	[smem:$0x3FA0] =	sst lr;
	_ =	strace $0xD0000000  }
0x3: {  	_ = 	snop  }
0x4: {  	_ = 	snop  }
0x5: {  	_ = 	snop  }
0x6: {  	_ = 	snop  }
0x7: {  	_ = 	snop  }
__scs_overlays_trampoline_lowered:
0x8: {  	[smem:$0x3FAF] =	sst s0  }
0x9: {  	[smem:$0x3FB0] =	sst s1  }
0xa: {  	[smem:$0x3FB1] =	sst s2  }
0xb: {  	[smem:$0x3FB2] =	sst s3  }
0xc: {  	[smem:$0x3FB3] =	sst s4  }
0xd: {  	[smem:$0x3FB4] =	sst s5  }
0xe: {  	[smem:$0x3FB5] =	sst s6  }
0xf: {  	[smem:$0x3FB6] =	sst s7  }
0x10: {  	[smem:$0x3FB7] =	sst s8  }
0x11: {  	[smem:$0x3FB8] =	sst s9;
	s0 =	simm.s32 @!p0 $0x0  }
0x12: {  	s1 =	sld [smem:$0x3F9E];
	s0 =	simm.s32 @p0 $0x1  }
0x13: {  	[smem:$0x3FB9] =	sst s0;
	s0 =	simm.s32 @!p1 $0x0  }
0x14: {  	s2 =	sld [smem:$0x3F9D];
	s0 =	simm.s32 @p1 $0x1  }
0x15: {  	[smem:$0x3FBA] =	sst s0;
	s0 =	simm.s32 @!p2 $0x0  }
0x16: {  	s3 =	sld [smem:$0x3FDB];
	s0 =	simm.s32 @p2 $0x1  }
0x17: {  	s4 =	simm.s32 $0x1BF5;
	[smem:$0x3FBC] =	sst s0  }
0x18: {  	s0 =	sld [smem:$0x3F9F];
	_ =	swait.ge [sflag:s4], $0x0  }
0x19: {  	s7 =	sld [smem:$0x3FA0]  }
0x1a: {  	s8 =	sadd.s32 $0xFFFFE003, lr  }
0x1b: {  	s9 =	sadd.s32 $0xFFFFFEF7, lr;
	s5 =	simm.s32 $0xFFFFFFFF;
	p2 =	slt.u32 s8, $0xFFFFF086  }
0x1c: {  	p1 =	slt.u32 s9, $0xF7A;
	s5 =	simm.s32 @!p2 $0x0  }
0x1d: {  	s5 =	simm.s32 @p1 $0x1;
	p0 =	seq.s32 s7, s2  }
0x1e: {  	s7 =	smul.u32 @!p0 $0xF7A, s2;
	p2 =	seq.s32 @!p0 s5, $0x0  }
0x1f: {  	s9 =	smul.u32 $0xF7A, s1;
	s8 =	simm.s32 @!p0 $0x1BF5;
	p2 =	por !p2, p0  }
0x20: {  	[sflag:s8] =	ssyncset.s32 @!p0 $0xFFFFF086;
	s6 =	sadd.s32 @!p0 s3, s7;
	s7 =	simm.s32 @!p0 $0x108  }
0x21: {  	s3 =	sadd.s32 s3, s9;
	s6 =	sadd.s32 @!p0 $0x88, s6;
	s7 =	simm.s32 @p2 $0x1082  }
0x22: {  	[simem:s7], [sflag:s8] =	dma.local @!p0 [hbm:s6], $0xF7A  }
0x23: {  	s9 =	sor.u32 $0xD0000000, s2;
	s6 =	simm.s32 $0x108;
	_ =	swait.ge @!p0 [sflag:s8], $0x0  }
0x24: {  	s3 =	sadd.s32 $0x88, s3;
	s6 =	simm.s32 @!p1 $0x1082;
	[sflag:s4] =	ssyncset.s32 $0xFFFFF086  }
0x25: {  	[simem:s6], [sflag:s4] =	dma.local [hbm:s3], $0xF7A  }
0x26: {  	[smem:$0x3FA0] =	sst s1;
	(tag) =	ssettag s2;
	_ =	strace s9  }
0x27: {  	s1 =	sld [smem:$0x3FB0]  }
0x28: {  	s2 =	sld [smem:$0x3FB1]  }
0x29: {  	s4 =	sld [smem:$0x3FB3]  }
0x2a: {  	p0 =	seq.s32 s5, $0x0;
	s5 =	sld [smem:$0x3FB4]  }
0x2b: {  	s6 =	sld [smem:$0x3FB5]  }
0x2c: {  	s7 =	sld [smem:$0x3FB6]  }
0x2d: {  	s3 =	simm.s32 $0x108;
	s8 =	sld [smem:$0x3FB7]  }
0x2e: {  	s3 =	simm.s32 @!p0 $0x1082;
	s9 =	sld [smem:$0x3FB8]  }
0x2f: {  	lr =	sadd.s32 s0, s3;
	s0 =	sld [smem:$0x3FAF]  }
0x30: {  	s3 =	sld [smem:$0x3FB2]  }
0x31: {  	[smem:$0x3FBB] =	sst s10  }
0x32: {  	s10 =	sld [smem:$0x3FB9];
	_ =	sdelay $0x3  }
0x33: {  	p0 =	seq.s32 s10, $0x1;
	s10 =	sld [smem:$0x3FBB];
	_ =	sdelay $0x3  }
0x34: {  	[smem:$0x3FBB] =	sst s10  }
0x35: {  	s10 =	sld [smem:$0x3FBA];
	_ =	sdelay $0x3  }
0x36: {  	p1 =	seq.s32 s10, $0x1;
	s10 =	sld [smem:$0x3FBB];
	_ =	sdelay $0x3  }
0x37: {  	[smem:$0x3FBB] =	sst s10  }
0x38: {  	s10 =	sld [smem:$0x3FBC]  }
0x39: {  	_ = 	snop;
	(pc) =	sbr.ind lr, $3  }
0x3a: {  	_ = 	snop  }
0x3b: {  	_ = 	snop  }
0x3c: {  	p2 =	seq.s32 s10, $0x1;
	s10 =	sld [smem:$0x3FBB]  }
0x3d: {  	_ =	shalt  }
0x3e: {  	_ =	shalt  }
0x3f: {  	_ =	shalt  }
0x40: {  	_ =	shalt  }
0x41: {  	_ =	shalt  }
0x42: {  	_ =	shalt  }
0x43: {  	_ =	shalt  }
0x44: {  	_ =	shalt  }
0x45: {  	_ =	shalt  }
0x46: {  	_ =	shalt  }
0x47: {  	_ =	shalt  }
0x48: {  	_ =	shalt  }
0x49: {  	_ =	shalt  }
0x4a: {  	_ =	shalt  }
0x4b: {  	_ =	shalt  }
0x4c: {  	_ =	shalt  }
0x4d: {  	_ =	shalt  }
0x4e: {  	_ =	shalt  }
0x4f: {  	_ =	shalt  }
0x50: {  	_ =	shalt  }
0x51: {  	_ =	shalt  }
0x52: {  	_ =	shalt  }
0x53: {  	_ =	shalt  }
0x54: {  	_ =	shalt  }
0x55: {  	_ =	shalt  }
0x56: {  	_ =	shalt  }
0x57: {  	_ =	shalt  }
0x58: {  	_ =	shalt  }
0x59: {  	_ =	shalt  }
0x5a: {  	_ =	shalt  }
0x5b: {  	_ =	shalt  }
0x5c: {  	_ =	shalt  }
0x5d: {  	_ =	shalt  }
0x5e: {  	_ =	shalt  }
0x5f: {  	_ =	shalt  }
0x60: {  	_ =	shalt  }
0x61: {  	_ =	shalt  }
0x62: {  	_ =	shalt  }
0x63: {  	_ =	shalt  }
0x64: {  	_ =	shalt  }
0x65: {  	_ =	shalt  }
0x66: {  	_ =	shalt  }
0x67: {  	_ =	shalt  }
0x68: {  	_ =	shalt  }
0x69: {  	_ =	shalt  }
0x6a: {  	_ =	shalt  }
0x6b: {  	_ =	shalt  }
0x6c: {  	_ =	shalt  }
0x6d: {  	_ =	shalt  }
0x6e: {  	_ =	shalt  }
0x6f: {  	_ =	shalt  }
0x70: {  	_ =	shalt  }
0x71: {  	_ =	shalt  }
0x72: {  	_ =	shalt  }
0x73: {  	_ =	shalt  }
0x74: {  	_ =	shalt  }
0x75: {  	_ =	shalt  }
0x76: {  	_ =	shalt  }
0x77: {  	_ =	shalt  }
0x78: {  	_ =	shalt  }
0x79: {  	_ =	shalt  }
0x7a: {  	_ =	shalt  }
0x7b: {  	_ =	shalt  }
0x7c: {  	_ =	shalt  }
0x7d: {  	_ =	shalt  }
0x7e: {  	_ =	shalt  }
0x7f: {  	_ =	shalt  }
0x80: {  	_ =	shalt  }
0x81: {  	_ =	shalt  }
0x82: {  	_ =	shalt  }
0x83: {  	_ =	shalt  }
0x84: {  	_ =	shalt  }
0x85: {  	_ =	shalt  }
0x86: {  	_ =	shalt  }
0x87: {  	_ =	shalt  }
.Lfunc_end0:
.L_simem_size_0:
called_computation_lowered:
.L_overlay_start_0:
0x88: {  	s2 =	sld [smem:$0x3FD9]  }
0x89: {  	s3 =	sld [smem:$0x3FFE];
	_ =	sdelay $0x1  }
0x8a: {  	s1 =	srdreg.scid  }
0x8b: {  	s0 =	sand.u32 $0x1, s1  }
0x8c: {  	s16 =	sshll.u32 s0, $0xA;
	s2 =	sadd.s32 s3, s2  }
0x8d: {  	s2 =	sadd.s32 s2, s16  }
0x8e: {  	[smem:$0x3FC7] =	sst s2  }
0x8f: {  	_ = 	snop  }
0x90: {  	(tm) =	ssettm $0x1  }
0x91: {  	s17 =	sld [smem:$0x3FFB];
	_ =	sdelay $0x3  }
0x92: {  	_ =	strace s17  }
0x93: {  	s2 =	sld [smem:$0x3FFC];
	_ =	sdelay $0x3  }
0x94: {  	_ =	strace s2  }
0x95: {  	s2 =	sld [smem:$0x3FFD];
	_ =	sdelay $0x3  }
0x96: {  	_ =	strace s2  }
0x97: {  	_ =	strace $0x8FFFFFFF  }
0x98: {  	s18 =	sld [smem:$0x3FDB];
	_ =	sdelay $0x1  }
0x99: {  	s19 =	simm.s32 $_scs_section_size  }
0x9a: {  	s4 =	simm.s32 $_size__tile_overlayer_lowered;
	s5 =	simm.s32 $_tile_overlayer_lowered  }
0x9b: {  	s22 =	simm.s32 $0x1BFF;
	s21 =	sshll.u32 s5, $0x1;
	s2 =	sadd.s32 s19, s18  }
0x9c: {  	s6 =	simm.s32 $0x0;
	s20 =	sshll.u32 s4, $0x1;
	s4 =	sadd.s32 s21, s2  }
0x9d: {  	[timem:s6], [sflag:s22] =	dma.local [hbm:s4], s20  }
0x9e: {  	_ =	swait.ge [sflag:s22], s20  }
0x9f: {  	s3 =	ssub.s32 $0x0, s20;
	[sflag:s22] =	ssyncset.done $0x0  }
0xa0: {  	[sflag:s22] =	ssyncadd.s32 s3;
	_ =	sdelay $0x1  }
0xa1: {  	s23 =	simm.s32 $0x1B8B  }
0xa2: {  	_ =	swait.ge [sflag:s23], $0x1  }
0xa3: {  	[sflag:s23] =	ssyncset.done $0x0  }
0xa4: {  	s25 =	simm.s32 $0x1B8E;
	s24 =	sld [smem:$0x3FFE];
	[sflag:s23] =	ssyncadd.s32 $0xFFFFFFFF  }
0xa5: {  	s26 =	simm.s32 $execute0_lowered;
	[smem:$0x3FD2] =	sst s25  }
0xa6: {  	s4 =	sshll.u32 s26, $0x1;
	_ =	strace $0x80000046;
	[dreg:$0x1] =	wrdreg $0xFFFFFFFF  }
0xa7: {  	s28 =	simm.s32 $_size_execute0_lowered;
	s2 =	sadd.s32 s2, s4;
	[dreg:$0x0] =	wrdreg $0x0  }
0xa8: {  	s4 =	sshll.u32 s28, $0x1;
	[dreg:$0x2] =	wrdreg s2  }
0xa9: {  	[dreg:$0x3] =	wrdreg s4  }
0xaa: {  	[dreg:$0x4] =	wrdreg $0xC0  }
0xab: {  	_ =	task [dreg:s6], $0x5FFFF  }
0xac: {  	[dreg:$0x1] =	wrdreg $0xFFFFFFFF  }
0xad: {  	[dreg:$0x0] =	wrdreg $0x60  }
0xae: {  	[dreg:$0x2] =	wrdreg s24  }
0xaf: {  	[dreg:$0x3] =	wrdreg $0x9  }
0xb0: {  	_ =	task.clear_ibuf [dreg:s6], $0x4FFFF;
	_ =	strace $0x90000046  }
0xb1: {  	s29 =	simm.s32 $0x9;
	_ =	strace $0x80000048  }
0xb2: {  	_ =	swait.ge [sflag:s29], $0x1  }
0xb3: {  	[sflag:s29] =	ssyncadd.s32 $0xFFFFFFFF  }
0xb4: {  	_ =	strace $0x90000048  }
0xb5: {  	_ =	sfence  }
0xb6: {  	s30 =	sld [smem:$0x0];
	_ =	sdelay $0x2  }
0xb7: {  	s31 =	sshll.u32 s1, $0xD;
	s1 =	sshrl.u32 s1, $0x2  }
0xb8: {  	s3 =	sand.u32 $0x4000, s31;
	s1 =	sadd.s32 s1, s30  }
0xb9: {  	s0 =	sor.u32 s3, s0;
	s1 =	sshll.u32 s1, $0x11  }
0xba: {  	s0 =	sor.u32 s1, s0  }
0xbb: {  	s0 =	sadd.s32 $0x8F2B, s0  }
0xbc: {  	[sflag:s0] =	ssyncadd.remote.s32 $0x1  }
0xbd: {  	_ =	sfence.sel $0xFFFF  }
0xbe: {  	[dreg:$0x0] =	wrdreg $0xFFFFFFFF;
	(pc) =	sbr.abs _section_cstart, $3  }
0xbf: {  	[dreg:$0x1] =	wrdreg $0xFFFFFFFF  }
0xc0: {  	_ =	task.clear_ibuf [dreg:s6], $0x2FFFF;
	_ =	strace $0x9FFFFFFF  }
0xc1: {  	(tm) =	ssettm $0x7FFFFFFF  }
tec
execute0_lowered:
.L_overlay_start_1:
0x0: {  	(tag) =	ssettag $0x1  }
0x1: {  	s0 =	srdreg.scid  }
0x2: {  	s1 =	stileid.u32;
	s5 =	sand.u32 $0x1, s0  }
0x3: {  	s4 =	sor.u32 s1, s5  }
0x4: {  	p0 =	sne.s32 s4, $0x0  }
.Ltmp0:
0x5: {  	_ = 	snop;
	(pc) =	sbr.rel @p0 .LBB2_4-.Ltmp0, $4  }
0x6: {  	_ = 	snop  }
0x7: {  	s3 =	rddreg [dreg:$0x0];
	s2 =	simm.s32 $0x0  }
0x8: {  	[smem:$0x7FF] =	sst s2  }
0x9: {  	s0 =	rddreg [dreg:$0x1];
	_ =	strace $0x80000047  }
0xa: {  	s4 =	sadd.s32 $0x400, s3;
	s5 =	ssub.s32 $0x2, s5  }
0xb: {  	[tilespmem:s2], [sflag:$0x1] =	stream.linear.gather [hbm4b:s4+s2], $0x400, $0x38;
	[tilespmem:$0x400] =	vst v63  }
0xc: {  	s3 =	simm.s32 $0x1;
	s6 =	sshrl.u32 s5, $0x1  }
0xd: {  	_ =	swait.ge [sflag:s3], $0x400;
	s5 =	ssub.s32 s5, s6  }
0xe: {  	[sflag:s3] =	ssyncset.done $0x0;
	p0 =	sne.s32 s5, $0x1  }
.Ltmp1:
0xf: {  	v0 =	vimm.f32 $2.000000000e+00;
	[sflag:s3] =	ssyncadd.s32 $0xFFFFFC00;
	(pc) =	sbr.rel @!p0 .LBB2_3-.Ltmp1, $4  }
0x10: {  	[tilespmem:$0x1B0] =	vst v0  }
0x11: {  	[tilespmem:$0xB0] =	vst v0  }
0x12: {  	[tilespmem:$0x1A0] =	vst v0  }
0x13: {  	s5 =	sadd.s32 $0xFFFFFFFF, s5;
	[tilespmem:$0xA0] =	vst v0  }
.LBB2_2:
0x14: {  	p0 =	sne.s32 s5, $0x1;
	s5 =	sadd.s32 $0xFFFFFFFF, s5;
	[tilespmem:$0x190] =	vst v0  }
0x15: {  	[tilespmem:$0x90] =	vst v0  }
0x16: {  	[tilespmem:$0x80] =	vst v0  }
0x17: {  	[tilespmem:$0x180] =	vst v0  }
0x18: {  	[hbm4b:s4+s2] =	stream.linear.scatter [tilespmem:s2], [sflag:$0x1], $0x400, $0x38;
	[tilespmem:$0x400] =	vst v63  }
0x19: {  	_ =	swait.ge [sflag:s3], $0x400  }
0x1a: {  	[sflag:s3] =	ssyncset.done $0x0  }
0x1b: {  	[sflag:s3] =	ssyncadd.s32 $0xFFFFFC00  }
0x1c: {  	[tilespmem:s2], [sflag:$0x1] =	stream.linear.gather [hbm4b:s4+s2], $0x400, $0x38;
	[tilespmem:$0x400] =	vst v63  }
0x1d: {  	_ =	swait.ge [sflag:s3], $0x400  }
0x1e: {  	[sflag:s3] =	ssyncset.done $0x0  }
.Ltmp2:
0x1f: {  	[sflag:s3] =	ssyncadd.s32 $0xFFFFFC00;
	(pc) =	sbr.rel @p0 .LBB2_2-.Ltmp2, $4  }
0x20: {  	[tilespmem:$0x1B0] =	vst v0  }
0x21: {  	[tilespmem:$0xB0] =	vst v0  }
0x22: {  	[tilespmem:$0x1A0] =	vst v0  }
0x23: {  	[tilespmem:$0xA0] =	vst v0  }
.LBB2_3:
0x24: {  	[tilespmem:$0x190] =	vst v0  }
0x25: {  	[tilespmem:$0x90] =	vst v0  }
0x26: {  	[tilespmem:$0x80] =	vst v0  }
0x27: {  	[tilespmem:$0x180] =	vst v0  }
0x28: {  	[hbm4b:s4+s2] =	stream.linear.scatter [tilespmem:s2], [sflag:$0x1], $0x400, $0x38;
	[tilespmem:$0x400] =	vst v63  }
0x29: {  	_ =	swait.ge [sflag:s3], $0x400  }
0x2a: {  	[sflag:s3] =	ssyncset.done $0x0  }
0x2b: {  	[sflag:s3] =	ssyncadd.s32 $0xFFFFFC00  }
.LBB2_4:
0x2c: {  	_ =	sfence.sel $0x180000  }
0x2d: {  	[bflag:$0x0] =	sbarrier.arrive $0xFFFF  }
0x2e: {  	p0 =	sne.s32 s1, $0x0;
	_ =	strace $0x90000047  }
0x2f: {  	s0 =	sadd.s32 @!p0 $0x100000, s0;
	[bflag:$0x2] =	sbarrier.arrive $0xFFFF  }
0x30: {  	[sflag:s0] =	ssyncadd.tile.s32 @!p0 $0x1;
	_ =	shalt  }
.Lfunc_end2:
_tile_overlayer_lowered:
.L_overlay_start_2:
0x31: {  	(tag) =	ssettag $0x2  }
0x32: {  	s0 =	rddreg [dreg:$0x0];
	s2 =	stileid.u32  }
0x33: {  	s1 =	rddreg [dreg:$0x1];
	p0 =	sne.s32 s2, $0x0  }
0x34: {  	s3 =	rddreg [dreg:$0x2];
	[bflag:$0x3] =	sbarrier.arrive $0xFFFF;
	s2 =	simm.s32 @!p0 $0x1C02  }
0x35: {  	[timem:s3], [sflag:s2] =	dma.local @!p0 [hbm:s0], s1  }
0x36: {  	s0 =	simm.s32 @!p0 $0x2  }
0x37: {  	_ =	swait.ge @!p0 [sflag:s0], s1  }
0x38: {  	s1 =	ssub.s32 @!p0 $0x0, s1;
	[sflag:s0] =	ssyncset.done @!p0 $0x0  }
0x39: {  	[sflag:s0] =	ssyncadd.s32 @!p0 s1  }
0x3a: {  	[bflag:$0x3] =	sbarrier.arrive $0xFFFF  }
0x3b: {  	_ =	shalt  }

</sc_bundles>
